<compile_context>
chip_gen: v7x
topology: tpu7x:2x2x1
jax: 0.10.2.dev20260603
libtpu: 0.0.44.dev20260713+nightly
codegen_flags: <defaults>
</compile_context>

<pallas_src>
import functools

import jax
import jax.numpy as jnp
from jax import lax
from jax.experimental import pallas as pl
from jax.experimental.pallas import tpu as pltpu
from jax.experimental.pallas import tpu_sc as plsc

NUM_SPEAKER = 100000
EMB_DIM = 64
BATCH = 4096

_info = plsc.get_sparse_core_info()
_NC, _NS = _info.num_cores, _info.num_subcores
_NW = _NC * _NS
_ROWS_PER_W = EMB_DIM // _NW


@functools.partial(
    pl.kernel,
    mesh=plsc.VectorSubcoreMesh(core_axis_name="c", subcore_axis_name="s"),
    out_type=jax.ShapeDtypeStruct((EMB_DIM, BATCH), jnp.float32),
    scratch_types=[
        pltpu.VMEM((NUM_SPEAKER,), jnp.float32),
        pltpu.VMEM((BATCH,), jnp.int32),
        pltpu.VMEM((BATCH,), jnp.float32),
        pltpu.SemaphoreType.DMA,
    ],
    compiler_params=pltpu.CompilerParams(
        use_tc_tiling_on_sc=True, needs_layout_passes=False
    ),
)
def _lane_gather_kernel(tab_t, sid_hbm, out_t, row_v, sid_v, out_v, sem):
    wid = lax.axis_index("s") * _NC + lax.axis_index("c")
    c0 = wid * _ROWS_PER_W

    cp = pltpu.async_copy(tab_t.at[c0], row_v, sem)
    pltpu.sync_copy(sid_hbm, sid_v)

    for r in range(_ROWS_PER_W):
        cp.wait()

        @plsc.parallel_loop(0, BATCH, step=16, unroll=8)
        def _(i):
            off = pl.multiple_of(i, 16)
            idx = sid_v[pl.ds(off, 16)]
            out_v[pl.ds(off, 16)] = plsc.load_gather(row_v, [idx])
        pltpu.sync_copy(out_v, out_t.at[c0 + r])
        if r + 1 < _ROWS_PER_W:
            cp = pltpu.async_copy(tab_t.at[c0 + r + 1], row_v, sem)


def kernel(sid, cropped_waveform, emb_table):
    del cropped_waveform
    out_t = _lane_gather_kernel(emb_table.T, sid.astype(jnp.int32))
    return out_t.T

# --- scband reference (transcript-rebuilt; emitter-appended) ---
"""Pipeline reference for scband-custom-speaker-emb-90134183674590 (READ-ONLY COPY).

The authoritative reference and input builder live on the scoring server;
editing this copy changes nothing except your own understanding.
"""

import jax, jax.numpy as jnp
import numpy as np

NUM_SPEAKER = 100000
EMB_DIM = 64
BATCH = 4096
WAV_LEN = 16000

def setup_inputs(seed: int = 0) -> dict:
    key = jax.random.key(seed)
    k1, k2, k3 = jax.random.split(key, 3)
    sid = jax.random.randint(k1, (BATCH,), 0, NUM_SPEAKER, dtype=jnp.int64 if jax.config.jax_enable_x64 else jnp.int32)
    cropped_waveform = jax.random.normal(k2, (BATCH, WAV_LEN), dtype=jnp.float32)
    emb_table = jax.random.normal(k3, (NUM_SPEAKER, EMB_DIM), dtype=jnp.float32)
    return {"sid": sid, "cropped_waveform": cropped_waveform, "emb_table": emb_table}

def reference(sid, cropped_waveform, emb_table):
    # CustomSpeakerEmb.forward with initialized=True:
    # self.initialized = zeros(num_speaker) -> sum == 0 -> the w2v/speaker_encoder
    # initialization branch is skipped entirely; forward is a pure embedding lookup.
    # g = self.emb_s(sid)
    g = jnp.take(emb_table, sid, axis=0)
    return g

if __name__ == "__main__":
    import jax
    _d = setup_inputs()
    print(jax.jit(kernel)(*tuple(_d.values())))

</pallas_src>

<mosaic_0001>
#map = affine_map<(d0, d1) -> (0, 0)>
#map1 = affine_map<(d0, d1) -> (0)>
module attributes {stable_mosaic.version = 14 : i64} {
  func.func @_lane_gather_kernel(%arg0: i32, %arg1: i32, %arg2: memref<64x100000xf32, #tpu.memory_space<hbm>>, %arg3: memref<4096xi32, #tpu.memory_space<hbm>>, %arg4: memref<64x4096xf32, #tpu.memory_space<hbm>>, %arg5: memref<100000xf32, #tpu.memory_space<vmem>>, %arg6: memref<4096xi32, #tpu.memory_space<vmem>>, %arg7: memref<4096xf32, #tpu.memory_space<vmem>>, %arg8: memref<!tpu.dma_semaphore, #tpu.memory_space<semaphore_mem>>) attributes {dimension_semantics = [#tpu.dimension_semantics<core_parallel>, #tpu.dimension_semantics<subcore_parallel>], iteration_bounds = array<i64: 2, 16>, scalar_prefetch = 0 : i64, scratch_operands = 4 : i64, tpu.core_type = #tpu.core_type<sc_vector_subcore>, window_params = [{transform_indices = #map}, {transform_indices = #map1}, {transform_indices = #map}]} {
    %mul3A = arith.constant 2 : i32
    %mul3A_0 = arith.muli %arg1, %mul3A : i32
    %add3A = arith.addi %mul3A_0, %arg0 : i32
    %mul3A_1 = arith.constant 2 : i32
    %mul3A_2 = arith.muli %add3A, %mul3A_1 : i32
    %dma_start3A = arith.constant 0 : i32
    %dma_start3A_3 = tpu.memref_slice %arg2[%mul3A_2, %dma_start3A] : memref<64x100000xf32, #tpu.memory_space<hbm>> -> memref<1x100000xf32, #tpu.memory_space<hbm>>
    %dma_start3A_4 = tpu.memref_squeeze %dma_start3A_3 : memref<1x100000xf32, #tpu.memory_space<hbm>> -> memref<100000xf32, #tpu.memory_space<hbm>>
    %dma_start3A_5 = arith.constant 0 : i32
    %dma_start3A_6 = tpu.memref_slice %arg2[%mul3A_2, %dma_start3A_5] : memref<64x100000xf32, #tpu.memory_space<hbm>> -> memref<1x100000xf32, #tpu.memory_space<hbm>>
    %dma_start3A_7 = tpu.memref_squeeze %dma_start3A_6 : memref<1x100000xf32, #tpu.memory_space<hbm>> -> memref<100000xf32, #tpu.memory_space<hbm>>
    tpu.enqueue_dma source(%dma_start3A_7 : memref<100000xf32, #tpu.memory_space<hbm>>) target(%arg5 : memref<100000xf32, #tpu.memory_space<vmem>>) target_semaphore(%arg8 : memref<!tpu.dma_semaphore, #tpu.memory_space<semaphore_mem>>)
    "tpu.region"() ({
      %run_scoped3A = tpu.sem_alloc : memref<!tpu.dma_semaphore, #tpu.memory_space<semaphore_mem>>
      tpu.enqueue_dma source(%arg3 : memref<4096xi32, #tpu.memory_space<hbm>>) target(%arg6 : memref<4096xi32, #tpu.memory_space<vmem>>) target_semaphore(%run_scoped3A : memref<!tpu.dma_semaphore, #tpu.memory_space<semaphore_mem>>)
      tpu.wait_dma2 semaphore(%run_scoped3A : memref<!tpu.dma_semaphore, #tpu.memory_space<semaphore_mem>>) src(%arg3 : memref<4096xi32, #tpu.memory_space<hbm>>) dst(%arg6 : memref<4096xi32, #tpu.memory_space<vmem>>)
      tpu.yield
    }) : () -> ()
    %dma_wait3A = arith.constant 0 : i32
    %dma_wait3A_8 = tpu.memref_slice %arg2[%mul3A_2, %dma_wait3A] : memref<64x100000xf32, #tpu.memory_space<hbm>> -> memref<1x100000xf32, #tpu.memory_space<hbm>>
    %dma_wait3A_9 = tpu.memref_squeeze %dma_wait3A_8 : memref<1x100000xf32, #tpu.memory_space<hbm>> -> memref<100000xf32, #tpu.memory_space<hbm>>
    %dma_wait3A_10 = arith.constant 0 : i32
    %dma_wait3A_11 = tpu.memref_slice %arg2[%mul3A_2, %dma_wait3A_10] : memref<64x100000xf32, #tpu.memory_space<hbm>> -> memref<1x100000xf32, #tpu.memory_space<hbm>>
    %dma_wait3A_12 = tpu.memref_squeeze %dma_wait3A_11 : memref<1x100000xf32, #tpu.memory_space<hbm>> -> memref<100000xf32, #tpu.memory_space<hbm>>
    tpu.wait_dma2 semaphore(%arg8 : memref<!tpu.dma_semaphore, #tpu.memory_space<semaphore_mem>>) src(%dma_wait3A_12 : memref<100000xf32, #tpu.memory_space<hbm>>) dst(%arg5 : memref<100000xf32, #tpu.memory_space<vmem>>)
    %parallel_loop3A = arith.constant 0 : i32
    %parallel_loop3A_13 = arith.constant 4096 : i32
    %parallel_loop3A_14 = arith.constant 16 : i32
    scf.for %parallel_loop3A_38 = %parallel_loop3A to %parallel_loop3A_13 step %parallel_loop3A_14  : i32 {
      %parallel_loop3A_39 = tpu.assume_multiple %parallel_loop3A_38, 16 : i32
      %parallel_loop3A_40 = arith.index_cast %parallel_loop3A_39 : i32 to index
      %parallel_loop3A_41 = tpu.vector_load %arg6[%parallel_loop3A_40] {strides = array<i32>} : memref<4096xi32, #tpu.memory_space<vmem>>, vector<16xi32>,
      %parallel_loop3A_42 = tpu.vector_load_idx %arg5[%parallel_loop3A_41] : memref<100000xf32, #tpu.memory_space<vmem>>[vector<16xi32>], vector<16xf32>,
      %parallel_loop3A_43 = arith.index_cast %parallel_loop3A_39 : i32 to index
      %parallel_loop3A_44 = tpu.vector_load %arg7[%parallel_loop3A_43] {strides = array<i32>} : memref<4096xf32, #tpu.memory_space<vmem>>, vector<16xf32>,
      tpu.vector_store %arg7[%parallel_loop3A_43], %parallel_loop3A_42 {strides = array<i32>} : memref<4096xf32, #tpu.memory_space<vmem>>, vector<16xf32>,
    } {sc.loop_unroll_factor = 8 : i64, sc.parallel_access}
    %add3A_15 = arith.constant 0 : i32
    %add3A_16 = arith.addi %mul3A_2, %add3A_15 : i32
    "tpu.region"() ({
      %run_scoped3A = tpu.sem_alloc : memref<!tpu.dma_semaphore, #tpu.memory_space<semaphore_mem>>
      %dma_start3A_38 = arith.constant 0 : i32
      %dma_start3A_39 = tpu.memref_slice %arg4[%add3A_16, %dma_start3A_38] : memref<64x4096xf32, #tpu.memory_space<hbm>> -> memref<1x4096xf32, #tpu.memory_space<hbm>>
      %dma_start3A_40 = tpu.memref_squeeze %dma_start3A_39 : memref<1x4096xf32, #tpu.memory_space<hbm>> -> memref<4096xf32, #tpu.memory_space<hbm>>
      %dma_start3A_41 = arith.constant 0 : i32
      %dma_start3A_42 = tpu.memref_slice %arg4[%add3A_16, %dma_start3A_41] : memref<64x4096xf32, #tpu.memory_space<hbm>> -> memref<1x4096xf32, #tpu.memory_space<hbm>>
      %dma_start3A_43 = tpu.memref_squeeze %dma_start3A_42 : memref<1x4096xf32, #tpu.memory_space<hbm>> -> memref<4096xf32, #tpu.memory_space<hbm>>
      tpu.enqueue_dma source(%arg7 : memref<4096xf32, #tpu.memory_space<vmem>>) target(%dma_start3A_43 : memref<4096xf32, #tpu.memory_space<hbm>>) target_semaphore(%run_scoped3A : memref<!tpu.dma_semaphore, #tpu.memory_space<semaphore_mem>>)
      %dma_wait3A_44 = arith.constant 0 : i32
      %dma_wait3A_45 = tpu.memref_slice %arg4[%add3A_16, %dma_wait3A_44] : memref<64x4096xf32, #tpu.memory_space<hbm>> -> memref<1x4096xf32, #tpu.memory_space<hbm>>
      %dma_wait3A_46 = tpu.memref_squeeze %dma_wait3A_45 : memref<1x4096xf32, #tpu.memory_space<hbm>> -> memref<4096xf32, #tpu.memory_space<hbm>>
      %dma_wait3A_47 = arith.constant 0 : i32
      %dma_wait3A_48 = tpu.memref_slice %arg4[%add3A_16, %dma_wait3A_47] : memref<64x4096xf32, #tpu.memory_space<hbm>> -> memref<1x4096xf32, #tpu.memory_space<hbm>>
      %dma_wait3A_49 = tpu.memref_squeeze %dma_wait3A_48 : memref<1x4096xf32, #tpu.memory_space<hbm>> -> memref<4096xf32, #tpu.memory_space<hbm>>
      tpu.wait_dma2 semaphore(%run_scoped3A : memref<!tpu.dma_semaphore, #tpu.memory_space<semaphore_mem>>) src(%arg7 : memref<4096xf32, #tpu.memory_space<vmem>>) dst(%dma_wait3A_49 : memref<4096xf32, #tpu.memory_space<hbm>>)
      tpu.yield
    }) : () -> ()
    %add3A_17 = arith.constant 0 : i32
    %add3A_18 = arith.addi %mul3A_2, %add3A_17 : i32
    %add3A_19 = arith.constant 1 : i32
    %add3A_20 = arith.addi %add3A_18, %add3A_19 : i32
    %dma_start3A_21 = arith.constant 0 : i32
    %dma_start3A_22 = tpu.memref_slice %arg2[%add3A_20, %dma_start3A_21] : memref<64x100000xf32, #tpu.memory_space<hbm>> -> memref<1x100000xf32, #tpu.memory_space<hbm>>
    %dma_start3A_23 = tpu.memref_squeeze %dma_start3A_22 : memref<1x100000xf32, #tpu.memory_space<hbm>> -> memref<100000xf32, #tpu.memory_space<hbm>>
    %dma_start3A_24 = arith.constant 0 : i32
    %dma_start3A_25 = tpu.memref_slice %arg2[%add3A_20, %dma_start3A_24] : memref<64x100000xf32, #tpu.memory_space<hbm>> -> memref<1x100000xf32, #tpu.memory_space<hbm>>
    %dma_start3A_26 = tpu.memref_squeeze %dma_start3A_25 : memref<1x100000xf32, #tpu.memory_space<hbm>> -> memref<100000xf32, #tpu.memory_space<hbm>>
    tpu.enqueue_dma source(%dma_start3A_26 : memref<100000xf32, #tpu.memory_space<hbm>>) target(%arg5 : memref<100000xf32, #tpu.memory_space<vmem>>) target_semaphore(%arg8 : memref<!tpu.dma_semaphore, #tpu.memory_space<semaphore_mem>>)
    %dma_wait3A_27 = arith.constant 0 : i32
    %dma_wait3A_28 = tpu.memref_slice %arg2[%add3A_20, %dma_wait3A_27] : memref<64x100000xf32, #tpu.memory_space<hbm>> -> memref<1x100000xf32, #tpu.memory_space<hbm>>
    %dma_wait3A_29 = tpu.memref_squeeze %dma_wait3A_28 : memref<1x100000xf32, #tpu.memory_space<hbm>> -> memref<100000xf32, #tpu.memory_space<hbm>>
    %dma_wait3A_30 = arith.constant 0 : i32
    %dma_wait3A_31 = tpu.memref_slice %arg2[%add3A_20, %dma_wait3A_30] : memref<64x100000xf32, #tpu.memory_space<hbm>> -> memref<1x100000xf32, #tpu.memory_space<hbm>>
    %dma_wait3A_32 = tpu.memref_squeeze %dma_wait3A_31 : memref<1x100000xf32, #tpu.memory_space<hbm>> -> memref<100000xf32, #tpu.memory_space<hbm>>
    tpu.wait_dma2 semaphore(%arg8 : memref<!tpu.dma_semaphore, #tpu.memory_space<semaphore_mem>>) src(%dma_wait3A_32 : memref<100000xf32, #tpu.memory_space<hbm>>) dst(%arg5 : memref<100000xf32, #tpu.memory_space<vmem>>)
    %parallel_loop3A_33 = arith.constant 0 : i32
    %parallel_loop3A_34 = arith.constant 4096 : i32
    %parallel_loop3A_35 = arith.constant 16 : i32
    scf.for %parallel_loop3A_38 = %parallel_loop3A_33 to %parallel_loop3A_34 step %parallel_loop3A_35  : i32 {
      %parallel_loop3A_39 = tpu.assume_multiple %parallel_loop3A_38, 16 : i32
      %parallel_loop3A_40 = arith.index_cast %parallel_loop3A_39 : i32 to index
      %parallel_loop3A_41 = tpu.vector_load %arg6[%parallel_loop3A_40] {strides = array<i32>} : memref<4096xi32, #tpu.memory_space<vmem>>, vector<16xi32>,
      %parallel_loop3A_42 = tpu.vector_load_idx %arg5[%parallel_loop3A_41] : memref<100000xf32, #tpu.memory_space<vmem>>[vector<16xi32>], vector<16xf32>,
      %parallel_loop3A_43 = arith.index_cast %parallel_loop3A_39 : i32 to index
      %parallel_loop3A_44 = tpu.vector_load %arg7[%parallel_loop3A_43] {strides = array<i32>} : memref<4096xf32, #tpu.memory_space<vmem>>, vector<16xf32>,
      tpu.vector_store %arg7[%parallel_loop3A_43], %parallel_loop3A_42 {strides = array<i32>} : memref<4096xf32, #tpu.memory_space<vmem>>, vector<16xf32>,
    } {sc.loop_unroll_factor = 8 : i64, sc.parallel_access}
    %add3A_36 = arith.constant 1 : i32
    %add3A_37 = arith.addi %mul3A_2, %add3A_36 : i32
    "tpu.region"() ({
      %run_scoped3A = tpu.sem_alloc : memref<!tpu.dma_semaphore, #tpu.memory_space<semaphore_mem>>
      %dma_start3A_38 = arith.constant 0 : i32
      %dma_start3A_39 = tpu.memref_slice %arg4[%add3A_37, %dma_start3A_38] : memref<64x4096xf32, #tpu.memory_space<hbm>> -> memref<1x4096xf32, #tpu.memory_space<hbm>>
      %dma_start3A_40 = tpu.memref_squeeze %dma_start3A_39 : memref<1x4096xf32, #tpu.memory_space<hbm>> -> memref<4096xf32, #tpu.memory_space<hbm>>
      %dma_start3A_41 = arith.constant 0 : i32
      %dma_start3A_42 = tpu.memref_slice %arg4[%add3A_37, %dma_start3A_41] : memref<64x4096xf32, #tpu.memory_space<hbm>> -> memref<1x4096xf32, #tpu.memory_space<hbm>>
      %dma_start3A_43 = tpu.memref_squeeze %dma_start3A_42 : memref<1x4096xf32, #tpu.memory_space<hbm>> -> memref<4096xf32, #tpu.memory_space<hbm>>
      tpu.enqueue_dma source(%arg7 : memref<4096xf32, #tpu.memory_space<vmem>>) target(%dma_start3A_43 : memref<4096xf32, #tpu.memory_space<hbm>>) target_semaphore(%run_scoped3A : memref<!tpu.dma_semaphore, #tpu.memory_space<semaphore_mem>>)
      %dma_wait3A_44 = arith.constant 0 : i32
      %dma_wait3A_45 = tpu.memref_slice %arg4[%add3A_37, %dma_wait3A_44] : memref<64x4096xf32, #tpu.memory_space<hbm>> -> memref<1x4096xf32, #tpu.memory_space<hbm>>
      %dma_wait3A_46 = tpu.memref_squeeze %dma_wait3A_45 : memref<1x4096xf32, #tpu.memory_space<hbm>> -> memref<4096xf32, #tpu.memory_space<hbm>>
      %dma_wait3A_47 = arith.constant 0 : i32
      %dma_wait3A_48 = tpu.memref_slice %arg4[%add3A_37, %dma_wait3A_47] : memref<64x4096xf32, #tpu.memory_space<hbm>> -> memref<1x4096xf32, #tpu.memory_space<hbm>>
      %dma_wait3A_49 = tpu.memref_squeeze %dma_wait3A_48 : memref<1x4096xf32, #tpu.memory_space<hbm>> -> memref<4096xf32, #tpu.memory_space<hbm>>
      tpu.wait_dma2 semaphore(%run_scoped3A : memref<!tpu.dma_semaphore, #tpu.memory_space<semaphore_mem>>) src(%arg7 : memref<4096xf32, #tpu.memory_space<vmem>>) dst(%dma_wait3A_49 : memref<4096xf32, #tpu.memory_space<hbm>>)
      tpu.yield
    }) : () -> ()
    return
  }
}

</mosaic_0001>

<sc_bundles>
// kernel: kernel.3.cloned.1.call-start
scs
__scs_entry_jumppad:
0x0: {  	(pc) =	sbr.rel $0x88, $3  }
0x1: {  	(tag) =	ssettag $0x0;
	lr =	simm.s32 $0x1  }
0x2: {  	[smem:$0x3F9F] =	sst lr;
	_ =	strace $0xD0000000  }
0x3: {  	_ = 	snop  }
0x4: {  	_ = 	snop  }
0x5: {  	_ = 	snop  }
0x6: {  	_ = 	snop  }
0x7: {  	_ = 	snop  }
__scs_overlays_trampoline_lowered:
0x8: {  	[smem:$0x3FAE] =	sst s0  }
0x9: {  	[smem:$0x3FAF] =	sst s1  }
0xa: {  	[smem:$0x3FB0] =	sst s2  }
0xb: {  	[smem:$0x3FB1] =	sst s3  }
0xc: {  	[smem:$0x3FB2] =	sst s4  }
0xd: {  	[smem:$0x3FB3] =	sst s5  }
0xe: {  	[smem:$0x3FB4] =	sst s6  }
0xf: {  	[smem:$0x3FB5] =	sst s7  }
0x10: {  	[smem:$0x3FB6] =	sst s8  }
0x11: {  	[smem:$0x3FB7] =	sst s9;
	s0 =	simm.s32 @!p0 $0x0  }
0x12: {  	s1 =	sld [smem:$0x3F9D];
	s0 =	simm.s32 @p0 $0x1  }
0x13: {  	[smem:$0x3FB8] =	sst s0;
	s0 =	simm.s32 @!p1 $0x0  }
0x14: {  	s2 =	sld [smem:$0x3F9C];
	s0 =	simm.s32 @p1 $0x1  }
0x15: {  	[smem:$0x3FB9] =	sst s0;
	s0 =	simm.s32 @!p2 $0x0  }
0x16: {  	s3 =	sld [smem:$0x3FDB];
	s0 =	simm.s32 @p2 $0x1  }
0x17: {  	s4 =	simm.s32 $0x1BF5;
	[smem:$0x3FBB] =	sst s0  }
0x18: {  	s0 =	sld [smem:$0x3F9E];
	_ =	swait.ge [sflag:s4], $0x0  }
0x19: {  	s7 =	sld [smem:$0x3F9F]  }
0x1a: {  	s8 =	sadd.s32 $0xFFFFE003, lr  }
0x1b: {  	s9 =	sadd.s32 $0xFFFFFEF7, lr;
	s5 =	simm.s32 $0xFFFFFFFF;
	p2 =	slt.u32 s8, $0xFFFFF086  }
0x1c: {  	p1 =	slt.u32 s9, $0xF7A;
	s5 =	simm.s32 @!p2 $0x0  }
0x1d: {  	s5 =	simm.s32 @p1 $0x1;
	p0 =	seq.s32 s7, s2  }
0x1e: {  	s7 =	smul.u32 @!p0 $0xF7A, s2;
	p2 =	seq.s32 @!p0 s5, $0x0  }
0x1f: {  	s9 =	smul.u32 $0xF7A, s1;
	s8 =	simm.s32 @!p0 $0x1BF5;
	p2 =	por !p2, p0  }
0x20: {  	[sflag:s8] =	ssyncset.s32 @!p0 $0xFFFFF086;
	s6 =	sadd.s32 @!p0 s3, s7;
	s7 =	simm.s32 @!p0 $0x108  }
0x21: {  	s3 =	sadd.s32 s3, s9;
	s6 =	sadd.s32 @!p0 $0x88, s6;
	s7 =	simm.s32 @p2 $0x1082  }
0x22: {  	[simem:s7], [sflag:s8] =	dma.local @!p0 [hbm:s6], $0xF7A  }
0x23: {  	s9 =	sor.u32 $0xD0000000, s2;
	s6 =	simm.s32 $0x108;
	_ =	swait.ge @!p0 [sflag:s8], $0x0  }
0x24: {  	s3 =	sadd.s32 $0x88, s3;
	s6 =	simm.s32 @!p1 $0x1082;
	[sflag:s4] =	ssyncset.s32 $0xFFFFF086  }
0x25: {  	[simem:s6], [sflag:s4] =	dma.local [hbm:s3], $0xF7A  }
0x26: {  	[smem:$0x3F9F] =	sst s1;
	(tag) =	ssettag s2;
	_ =	strace s9  }
0x27: {  	s1 =	sld [smem:$0x3FAF]  }
0x28: {  	s2 =	sld [smem:$0x3FB0]  }
0x29: {  	s4 =	sld [smem:$0x3FB2]  }
0x2a: {  	p0 =	seq.s32 s5, $0x0;
	s5 =	sld [smem:$0x3FB3]  }
0x2b: {  	s6 =	sld [smem:$0x3FB4]  }
0x2c: {  	s7 =	sld [smem:$0x3FB5]  }
0x2d: {  	s3 =	simm.s32 $0x108;
	s8 =	sld [smem:$0x3FB6]  }
0x2e: {  	s3 =	simm.s32 @!p0 $0x1082;
	s9 =	sld [smem:$0x3FB7]  }
0x2f: {  	lr =	sadd.s32 s0, s3;
	s0 =	sld [smem:$0x3FAE]  }
0x30: {  	s3 =	sld [smem:$0x3FB1]  }
0x31: {  	[smem:$0x3FBA] =	sst s10  }
0x32: {  	s10 =	sld [smem:$0x3FB8];
	_ =	sdelay $0x3  }
0x33: {  	p0 =	seq.s32 s10, $0x1;
	s10 =	sld [smem:$0x3FBA];
	_ =	sdelay $0x3  }
0x34: {  	[smem:$0x3FBA] =	sst s10  }
0x35: {  	s10 =	sld [smem:$0x3FB9];
	_ =	sdelay $0x3  }
0x36: {  	p1 =	seq.s32 s10, $0x1;
	s10 =	sld [smem:$0x3FBA];
	_ =	sdelay $0x3  }
0x37: {  	[smem:$0x3FBA] =	sst s10  }
0x38: {  	s10 =	sld [smem:$0x3FBB]  }
0x39: {  	_ = 	snop;
	(pc) =	sbr.ind lr, $3  }
0x3a: {  	_ = 	snop  }
0x3b: {  	_ = 	snop  }
0x3c: {  	p2 =	seq.s32 s10, $0x1;
	s10 =	sld [smem:$0x3FBA]  }
0x3d: {  	_ =	shalt  }
0x3e: {  	_ =	shalt  }
0x3f: {  	_ =	shalt  }
0x40: {  	_ =	shalt  }
0x41: {  	_ =	shalt  }
0x42: {  	_ =	shalt  }
0x43: {  	_ =	shalt  }
0x44: {  	_ =	shalt  }
0x45: {  	_ =	shalt  }
0x46: {  	_ =	shalt  }
0x47: {  	_ =	shalt  }
0x48: {  	_ =	shalt  }
0x49: {  	_ =	shalt  }
0x4a: {  	_ =	shalt  }
0x4b: {  	_ =	shalt  }
0x4c: {  	_ =	shalt  }
0x4d: {  	_ =	shalt  }
0x4e: {  	_ =	shalt  }
0x4f: {  	_ =	shalt  }
0x50: {  	_ =	shalt  }
0x51: {  	_ =	shalt  }
0x52: {  	_ =	shalt  }
0x53: {  	_ =	shalt  }
0x54: {  	_ =	shalt  }
0x55: {  	_ =	shalt  }
0x56: {  	_ =	shalt  }
0x57: {  	_ =	shalt  }
0x58: {  	_ =	shalt  }
0x59: {  	_ =	shalt  }
0x5a: {  	_ =	shalt  }
0x5b: {  	_ =	shalt  }
0x5c: {  	_ =	shalt  }
0x5d: {  	_ =	shalt  }
0x5e: {  	_ =	shalt  }
0x5f: {  	_ =	shalt  }
0x60: {  	_ =	shalt  }
0x61: {  	_ =	shalt  }
0x62: {  	_ =	shalt  }
0x63: {  	_ =	shalt  }
0x64: {  	_ =	shalt  }
0x65: {  	_ =	shalt  }
0x66: {  	_ =	shalt  }
0x67: {  	_ =	shalt  }
0x68: {  	_ =	shalt  }
0x69: {  	_ =	shalt  }
0x6a: {  	_ =	shalt  }
0x6b: {  	_ =	shalt  }
0x6c: {  	_ =	shalt  }
0x6d: {  	_ =	shalt  }
0x6e: {  	_ =	shalt  }
0x6f: {  	_ =	shalt  }
0x70: {  	_ =	shalt  }
0x71: {  	_ =	shalt  }
0x72: {  	_ =	shalt  }
0x73: {  	_ =	shalt  }
0x74: {  	_ =	shalt  }
0x75: {  	_ =	shalt  }
0x76: {  	_ =	shalt  }
0x77: {  	_ =	shalt  }
0x78: {  	_ =	shalt  }
0x79: {  	_ =	shalt  }
0x7a: {  	_ =	shalt  }
0x7b: {  	_ =	shalt  }
0x7c: {  	_ =	shalt  }
0x7d: {  	_ =	shalt  }
0x7e: {  	_ =	shalt  }
0x7f: {  	_ =	shalt  }
0x80: {  	_ =	shalt  }
0x81: {  	_ =	shalt  }
0x82: {  	_ =	shalt  }
0x83: {  	_ =	shalt  }
0x84: {  	_ =	shalt  }
0x85: {  	_ =	shalt  }
0x86: {  	_ =	shalt  }
0x87: {  	_ =	shalt  }
.Lfunc_end0:
.L_simem_size_0:
called_computation_lowered:
.L_overlay_start_0:
0x88: {  	s2 =	sld [smem:$0x3FD9]  }
0x89: {  	s3 =	sld [smem:$0x3FFE];
	_ =	sdelay $0x1  }
0x8a: {  	s1 =	srdreg.scid  }
0x8b: {  	s0 =	sand.u32 $0x1, s1  }
0x8c: {  	s18 =	sshll.u32 s0, $0xA;
	s2 =	sadd.s32 s3, s2  }
0x8d: {  	s2 =	sadd.s32 s2, s18  }
0x8e: {  	[smem:$0x3FC6] =	sst s2  }
0x8f: {  	_ = 	snop  }
0x90: {  	s2 =	sld [smem:$0x3FC9]  }
0x91: {  	s19 =	sld [smem:$0x3FC8]  }
0x92: {  	s4 =	sld [smem:$0x3FD0];
	(tm) =	ssettm $0x1  }
0x93: {  	s5 =	sld [smem:$0x3FFB];
	_ =	sdelay $0x3  }
0x94: {  	_ =	strace s5  }
0x95: {  	s5 =	sld [smem:$0x3FFC];
	_ =	sdelay $0x3  }
0x96: {  	_ =	strace s5  }
0x97: {  	s5 =	sld [smem:$0x3FFD];
	_ =	sdelay $0x3  }
0x98: {  	_ =	strace s5  }
0x99: {  	_ =	strace $0x8FFFFFFF  }
0x9a: {  	s20 =	sld [smem:$0x3FDB];
	_ =	sdelay $0x1  }
0x9b: {  	s6 =	simm.s32 $_scs_section_size  }
0x9c: {  	s7 =	simm.s32 $_size__tile_overlayer_lowered;
	s8 =	simm.s32 $_tile_overlayer_lowered  }
0x9d: {  	s23 =	simm.s32 $0x1BFF;
	s22 =	sshll.u32 s8, $0x1;
	s5 =	sadd.s32 s6, s20  }
0x9e: {  	s9 =	simm.s32 $0x0;
	s21 =	sshll.u32 s7, $0x1;
	s7 =	sadd.s32 s22, s5  }
0x9f: {  	[timem:s9], [sflag:s23] =	dma.local [hbm:s7], s21  }
0xa0: {  	_ =	swait.ge [sflag:s23], s21  }
0xa1: {  	s6 =	ssub.s32 $0x0, s21;
	[sflag:s23] =	ssyncset.done $0x0  }
0xa2: {  	[sflag:s23] =	ssyncadd.s32 s6;
	_ =	sdelay $0x1  }
0xa3: {  	s24 =	simm.s32 $0x1B8B  }
0xa4: {  	_ =	swait.ge [sflag:s24], $0x1  }
0xa5: {  	[sflag:s24] =	ssyncset.done $0x0  }
0xa6: {  	s25 =	simm.s32 $0x1B8E;
	[sflag:s24] =	ssyncadd.s32 $0xFFFFFFFF  }
0xa7: {  	s26 =	simm.s32 $execute0_lowered;
	[smem:$0x3FD2] =	sst s25  }
0xa8: {  	s6 =	sshll.u32 s26, $0x1;
	_ =	strace $0x80000046;
	[dreg:$0x1] =	wrdreg $0xFFFFFFFF  }
0xa9: {  	s28 =	simm.s32 $_size_execute0_lowered;
	s5 =	sadd.s32 s5, s6;
	[dreg:$0x0] =	wrdreg $0x0  }
0xaa: {  	s6 =	sshll.u32 s28, $0x1;
	[dreg:$0x2] =	wrdreg s5  }
0xab: {  	[dreg:$0x3] =	wrdreg s6  }
0xac: {  	[dreg:$0x4] =	wrdreg $0xC0  }
0xad: {  	_ =	task [dreg:s9], $0x5FFFF  }
0xae: {  	[dreg:$0x1] =	wrdreg $0xFFFFFFFF  }
0xaf: {  	[dreg:$0x0] =	wrdreg $0x60  }
0xb0: {  	[dreg:$0x2] =	wrdreg s19  }
0xb1: {  	[dreg:$0x3] =	wrdreg s2  }
0xb2: {  	[dreg:$0x4] =	wrdreg s4  }
0xb3: {  	[dreg:$0x5] =	wrdreg $0x9  }
0xb4: {  	_ =	task.clear_ibuf [dreg:s9], $0x6FFFF;
	_ =	strace $0x90000046  }
0xb5: {  	s29 =	simm.s32 $0x9;
	_ =	strace $0x80000048  }
0xb6: {  	_ =	swait.ge [sflag:s29], $0x1  }
0xb7: {  	[sflag:s29] =	ssyncadd.s32 $0xFFFFFFFF  }
0xb8: {  	_ =	strace $0x90000048  }
0xb9: {  	_ =	sfence  }
0xba: {  	s30 =	sld [smem:$0x0];
	_ =	sdelay $0x2  }
0xbb: {  	s31 =	sshll.u32 s1, $0xD;
	s1 =	sshrl.u32 s1, $0x2  }
0xbc: {  	s3 =	sand.u32 $0x4000, s31;
	s1 =	sadd.s32 s1, s30  }
0xbd: {  	s0 =	sor.u32 s3, s0;
	s1 =	sshll.u32 s1, $0x11  }
0xbe: {  	s0 =	sor.u32 s1, s0  }
0xbf: {  	s0 =	sadd.s32 $0x8F2B, s0  }
0xc0: {  	[sflag:s0] =	ssyncadd.remote.s32 $0x1  }
0xc1: {  	_ =	sfence.sel $0xFFFF  }
0xc2: {  	[dreg:$0x0] =	wrdreg $0xFFFFFFFF;
	(pc) =	sbr.abs _section_cstart, $3  }
0xc3: {  	[dreg:$0x1] =	wrdreg $0xFFFFFFFF  }
0xc4: {  	_ =	task.clear_ibuf [dreg:s9], $0x2FFFF;
	_ =	strace $0x9FFFFFFF  }
0xc5: {  	(tm) =	ssettm $0x7FFFFFFF  }
tec
execute0_lowered:
.L_overlay_start_1:
0x0: {  	(tag) =	ssettag $0x1  }
0x1: {  	s6 =	rddreg [dreg:$0x0]  }
0x2: {  	s1 =	rddreg [dreg:$0x1]  }
0x3: {  	s7 =	rddreg [dreg:$0x2]  }
0x4: {  	s0 =	rddreg [dreg:$0x3];
	s4 =	srdreg.scid  }
0x5: {  	s3 =	simm.s32 $0x0;
	s2 =	stileid.u32;
	s12 =	simm.s32 $0x2  }
0x6: {  	s13 =	simm.s32 $0x1;
	s14 =	simm.s32 $0x19700;
	s15 =	simm.s32 $0x0  }
0x7: {  	s4 =	sand.u32 $0x1, s4;
	s8 =	sshll.u32 s2, $0x9;
	s9 =	sshrl.u32 s2, $0x1  }
0x8: {  	[smem:$0x7FF] =	sst s3;
	s5 =	ssub.s32 $0x2, s4;
	s4 =	sshll.u32 s4, $0x8  }
0x9: {  	s8 =	sand.u32 $0x200, s8;
	s10 =	smul.u32 $0xC3800, s9;
	_ =	strace $0x80000047  }
0xa: {  	s29 =	sshll.u32 s9, $0xF;
	s11 =	sshrl.u32 s5, $0x1;
	s8 =	sor.u32 s4, s8  }
0xb: {  	s11 =	ssub.s32 s5, s11;
	s4 =	sor.u32 s10, s8;
	s30 =	sor.u32 $0x80, s8  }
0xc: {  	s8 =	sor.u32 s29, s8;
	s4 =	sshrl.u32 s4, $0x3;
	s10 =	sor.u32 s10, s30  }
0xd: {  	s8 =	sshrl.u32 s8, $0x3;
	s9 =	sor.u32 s29, s30;
	s4 =	sadd.s32 s6, s4  }
0xe: {  	s10 =	sshrl.u32 s10, $0x3;
	s5 =	sadd.s32 s7, s8;
	s31 =	sshrl.u32 s9, $0x3  }
0xf: {  	s8 =	smax.u32 s11, $0x1;
	s9 =	simm.s32 $0x80;
	s11 =	simm.s32 $0x18700  }
0x10: {  	s6 =	sadd.s32 s6, s10;
	s7 =	sadd.s32 s7, s31;
	s10 =	simm.s32 $0x400  }
.LBB2_1:
0x11: {  	[tilespmem:s3], [sflag:$0x1] =	stream.strided.gather [hbm4b:s4+s9], $0x18700, s10, s9, $0x38;
	[tilespmem:$0x1A700] =	vst v63  }
0x12: {  	_ = 	snop  }
0x13: {  	[tilespmem:s11], [sflag:$0x2] =	stream.linear.gather [hbm4b:s1+s3], $0x1000, $0x38;
	[tilespmem:$0x1A700] =	vst v63  }
0x14: {  	_ =	swait.ge [sflag:s12], $0x1000  }
0x15: {  	[sflag:s12] =	ssyncset.done $0x0  }
0x16: {  	[sflag:s12] =	ssyncadd.s32 $0xFFFFF000  }
0x17: {  	_ =	swait.ge [sflag:s13], $0x18700  }
0x18: {  	[sflag:s13] =	ssyncset.done $0x0  }
0x19: {  	s16 =	simm.s32 $0x18740;
	[sflag:s13] =	ssyncadd.s32 $0xFFFE7900  }
0x1a: {  	v0 =	vld [tilespmem:s16+$0x30]  }
0x1b: {  	v1 =	vld [tilespmem:s16+$0xFFFFFFD0]  }
0x1c: {  	v2 =	vld [tilespmem:s16+$0xFFFFFFE0]  }
0x1d: {  	v3 =	vld [tilespmem:s16+$0xFFFFFFF0]  }
0x1e: {  	v4 =	vld [tilespmem:s16+$0x0]  }
0x1f: {  	v6 =	vld [tilespmem:s16+$0x10]  }
0x20: {  	v7 =	vld [tilespmem:s16+$0x20]  }
0x21: {  	v8 =	vld [tilespmem:s16+$0xFFFFFFC0]  }
0x22: {  	v9 =	vld.idx.msk [tilespmem:v0+s3+$0x0], $0xffff  }
0x23: {  	v10 =	vld.idx.msk [tilespmem:v1+s3+$0x0], $0xffff  }
0x24: {  	v5 =	vld.idx.msk [tilespmem:v2+s3+$0x0], $0xffff  }
0x25: {  	v3 =	vld.idx.msk [tilespmem:v3+s3+$0x0], $0xffff  }
0x26: {  	v0 =	vld.idx.msk [tilespmem:v4+s3+$0x0], $0xffff  }
0x27: {  	s16 =	simm.s32 $0x19740;
	v1 =	vld.idx.msk [tilespmem:v6+s3+$0x0], $0xffff  }
0x28: {  	v2 =	vld.idx.msk [tilespmem:v7+s3+$0x0], $0xffff;
	[tilespmem:s16+$0x30] =	vst v9  }
0x29: {  	s17 =	simm.s32 $0x0;
	s18 =	simm.s32 $0x187C0;
	v4 =	vld.idx.msk [tilespmem:v8+s3+$0x0], $0xffff;
	[tilespmem:s16+$0xFFFFFFD0] =	vst v10  }
.LBB2_2:
0x2a: {  	v6 =	vld [tilespmem:s18+$0x30];
	s17 =	sadd.s32 $0x80, s17;
	[tilespmem:s16+$0xFFFFFFE0] =	vst v5  }
0x2b: {  	v5 =	vld [tilespmem:s18+$0xFFFFFFD0];
	p0 =	slt.u32 s17, $0xF80;
	[tilespmem:s16+$0xFFFFFFF0] =	vst v3  }
0x2c: {  	v3 =	vld [tilespmem:s18+$0xFFFFFFE0];
	[tilespmem:s16+$0x0] =	vst v0  }
0x2d: {  	v0 =	vld [tilespmem:s18+$0xFFFFFFF0];
	[tilespmem:s16+$0x10] =	vst v1  }
0x2e: {  	v1 =	vld [tilespmem:s18+$0x0];
	[tilespmem:s16+$0x20] =	vst v2  }
0x2f: {  	v2 =	vld [tilespmem:s18+$0x10];
	[tilespmem:s16+$0xFFFFFFC0] =	vst v4  }
0x30: {  	v4 =	vld [tilespmem:s18+$0x20]  }
0x31: {  	v7 =	vld [tilespmem:s18+$0xFFFFFFC0]  }
0x32: {  	v6 =	vld.idx.msk [tilespmem:v6+s3+$0x0], $0xffff  }
0x33: {  	v8 =	vld.idx.msk [tilespmem:v5+s3+$0x0], $0xffff  }
0x34: {  	v5 =	vld.idx.msk [tilespmem:v3+s3+$0x0], $0xffff  }
.Ltmp0:
0x35: {  	v3 =	vld.idx.msk [tilespmem:v0+s3+$0x0], $0xffff;
	(pc) =	sbr.rel @p0 .LBB2_2-.Ltmp0, $4  }
0x36: {  	v0 =	vld.idx.msk [tilespmem:v1+s3+$0x0], $0xffff  }
0x37: {  	s16 =	sadd.s32 $0x80, s16;
	v1 =	vld.idx.msk [tilespmem:v2+s3+$0x0], $0xffff  }
0x38: {  	v2 =	vld.idx.msk [tilespmem:v4+s3+$0x0], $0xffff;
	[tilespmem:s16+$0x30] =	vst v6  }
0x39: {  	s18 =	sadd.s32 $0x80, s18;
	v4 =	vld.idx.msk [tilespmem:v7+s3+$0x0], $0xffff;
	[tilespmem:s16+$0xFFFFFFD0] =	vst v8  }
0x3a: {  	[tilespmem:s16+$0xFFFFFFE0] =	vst v5  }
0x3b: {  	[tilespmem:s16+$0xFFFFFFF0] =	vst v3  }
0x3c: {  	[tilespmem:s16+$0x0] =	vst v0  }
0x3d: {  	[tilespmem:s16+$0x10] =	vst v1  }
0x3e: {  	[tilespmem:s16+$0x20] =	vst v2  }
0x3f: {  	[tilespmem:s16+$0xFFFFFFC0] =	vst v4  }
0x40: {  	[hbm4b:s5+s9] =	stream.strided.scatter [tilespmem:s14], [sflag:$0x2], $0x1000, s10, s9, $0x38;
	[tilespmem:$0x1A700] =	vst v63  }
0x41: {  	_ =	swait.ge [sflag:s12], $0x1000  }
0x42: {  	[sflag:s12] =	ssyncset.done $0x0  }
0x43: {  	[sflag:s12] =	ssyncadd.s32 $0xFFFFF000  }
0x44: {  	[tilespmem:s3], [sflag:$0x1] =	stream.strided.gather [hbm4b:s6+s9], $0x18700, s10, s9, $0x38;
	[tilespmem:$0x1A700] =	vst v63  }
0x45: {  	_ =	swait.ge [sflag:s13], $0x18700  }
0x46: {  	[sflag:s13] =	ssyncset.done $0x0  }
0x47: {  	s31 =	simm.s32 $0x18740;
	[sflag:s13] =	ssyncadd.s32 $0xFFFE7900  }
0x48: {  	v0 =	vld [tilespmem:s31+$0x30]  }
0x49: {  	v1 =	vld [tilespmem:s31+$0xFFFFFFD0]  }
0x4a: {  	v2 =	vld [tilespmem:s31+$0xFFFFFFE0]  }
0x4b: {  	v3 =	vld [tilespmem:s31+$0xFFFFFFF0]  }
0x4c: {  	v4 =	vld [tilespmem:s31+$0x0]  }
0x4d: {  	v6 =	vld [tilespmem:s31+$0x10]  }
0x4e: {  	v7 =	vld [tilespmem:s31+$0x20]  }
0x4f: {  	v8 =	vld [tilespmem:s31+$0xFFFFFFC0]  }
0x50: {  	v9 =	vld.idx.msk [tilespmem:v0+s3+$0x0], $0xffff  }
0x51: {  	v10 =	vld.idx.msk [tilespmem:v1+s3+$0x0], $0xffff  }
0x52: {  	v5 =	vld.idx.msk [tilespmem:v2+s3+$0x0], $0xffff  }
0x53: {  	v3 =	vld.idx.msk [tilespmem:v3+s3+$0x0], $0xffff  }
0x54: {  	v0 =	vld.idx.msk [tilespmem:v4+s3+$0x0], $0xffff  }
0x55: {  	s16 =	simm.s32 $0x19740;
	v1 =	vld.idx.msk [tilespmem:v6+s3+$0x0], $0xffff  }
0x56: {  	v2 =	vld.idx.msk [tilespmem:v7+s3+$0x0], $0xffff;
	[tilespmem:s16+$0x30] =	vst v9  }
0x57: {  	s17 =	simm.s32 $0x0;
	s18 =	simm.s32 $0x187C0;
	v4 =	vld.idx.msk [tilespmem:v8+s3+$0x0], $0xffff;
	[tilespmem:s16+$0xFFFFFFD0] =	vst v10  }
.LBB2_4:
0x58: {  	v6 =	vld [tilespmem:s18+$0x30];
	s17 =	sadd.s32 $0x80, s17;
	[tilespmem:s16+$0xFFFFFFE0] =	vst v5  }
0x59: {  	v5 =	vld [tilespmem:s18+$0xFFFFFFD0];
	p0 =	slt.u32 s17, $0xF80;
	[tilespmem:s16+$0xFFFFFFF0] =	vst v3  }
0x5a: {  	v3 =	vld [tilespmem:s18+$0xFFFFFFE0];
	[tilespmem:s16+$0x0] =	vst v0  }
0x5b: {  	v0 =	vld [tilespmem:s18+$0xFFFFFFF0];
	[tilespmem:s16+$0x10] =	vst v1  }
0x5c: {  	v1 =	vld [tilespmem:s18+$0x0];
	[tilespmem:s16+$0x20] =	vst v2  }
0x5d: {  	v2 =	vld [tilespmem:s18+$0x10];
	[tilespmem:s16+$0xFFFFFFC0] =	vst v4  }
0x5e: {  	v4 =	vld [tilespmem:s18+$0x20]  }
0x5f: {  	v7 =	vld [tilespmem:s18+$0xFFFFFFC0]  }
0x60: {  	v6 =	vld.idx.msk [tilespmem:v6+s3+$0x0], $0xffff  }
0x61: {  	v8 =	vld.idx.msk [tilespmem:v5+s3+$0x0], $0xffff  }
0x62: {  	v5 =	vld.idx.msk [tilespmem:v3+s3+$0x0], $0xffff  }
.Ltmp1:
0x63: {  	v3 =	vld.idx.msk [tilespmem:v0+s3+$0x0], $0xffff;
	(pc) =	sbr.rel @p0 .LBB2_4-.Ltmp1, $4  }
0x64: {  	v0 =	vld.idx.msk [tilespmem:v1+s3+$0x0], $0xffff  }
0x65: {  	s16 =	sadd.s32 $0x80, s16;
	v1 =	vld.idx.msk [tilespmem:v2+s3+$0x0], $0xffff  }
0x66: {  	v2 =	vld.idx.msk [tilespmem:v4+s3+$0x0], $0xffff;
	[tilespmem:s16+$0x30] =	vst v6  }
0x67: {  	s18 =	sadd.s32 $0x80, s18;
	v4 =	vld.idx.msk [tilespmem:v7+s3+$0x0], $0xffff;
	[tilespmem:s16+$0xFFFFFFD0] =	vst v8  }
0x68: {  	[tilespmem:s16+$0xFFFFFFE0] =	vst v5  }
0x69: {  	[tilespmem:s16+$0xFFFFFFF0] =	vst v3  }
0x6a: {  	[tilespmem:s16+$0x0] =	vst v0  }
0x6b: {  	s15 =	sadd.s32 $0x1, s15;
	[tilespmem:s16+$0x10] =	vst v1  }
0x6c: {  	p0 =	sne.s32 s15, s8;
	[tilespmem:s16+$0x20] =	vst v2  }
.Ltmp2:
0x6d: {  	[tilespmem:s16+$0xFFFFFFC0] =	vst v4;
	(pc) =	sbr.rel @p0 .LBB2_1-.Ltmp2, $4  }
0x6e: {  	[hbm4b:s7+s9] =	stream.strided.scatter [tilespmem:s14], [sflag:$0x2], $0x1000, s10, s9, $0x38;
	[tilespmem:$0x1A700] =	vst v63  }
0x6f: {  	_ =	swait.ge [sflag:s12], $0x1000  }
0x70: {  	[sflag:s12] =	ssyncset.done $0x0  }
0x71: {  	[sflag:s12] =	ssyncadd.s32 $0xFFFFF000  }
0x72: {  	_ =	sfence.sel $0x180000  }
0x73: {  	[bflag:$0x0] =	sbarrier.arrive $0xFFFF  }
0x74: {  	p0 =	sne.s32 s2, $0x0;
	_ =	strace $0x90000047  }
0x75: {  	s0 =	sadd.s32 @!p0 $0x100000, s0;
	[bflag:$0x2] =	sbarrier.arrive $0xFFFF  }
0x76: {  	[sflag:s0] =	ssyncadd.tile.s32 @!p0 $0x1;
	_ =	shalt  }
.Lfunc_end2:
_tile_overlayer_lowered:
.L_overlay_start_2:
0x77: {  	(tag) =	ssettag $0x2  }
0x78: {  	s0 =	rddreg [dreg:$0x0];
	s2 =	stileid.u32  }
0x79: {  	s1 =	rddreg [dreg:$0x1];
	p0 =	sne.s32 s2, $0x0  }
0x7a: {  	s3 =	rddreg [dreg:$0x2];
	[bflag:$0x3] =	sbarrier.arrive $0xFFFF;
	s2 =	simm.s32 @!p0 $0x1C02  }
0x7b: {  	[timem:s3], [sflag:s2] =	dma.local @!p0 [hbm:s0], s1  }
0x7c: {  	s0 =	simm.s32 @!p0 $0x2  }
0x7d: {  	_ =	swait.ge @!p0 [sflag:s0], s1  }
0x7e: {  	s1 =	ssub.s32 @!p0 $0x0, s1;
	[sflag:s0] =	ssyncset.done @!p0 $0x0  }
0x7f: {  	[sflag:s0] =	ssyncadd.s32 @!p0 s1  }
0x80: {  	[bflag:$0x3] =	sbarrier.arrive $0xFFFF  }
0x81: {  	_ =	shalt  }

</sc_bundles>
